<compile_context>
chip_gen: v7x
topology: tpu7x:2x2x1
jax: 0.10.2.dev20260603
libtpu: 0.0.44.dev20260713+nightly
codegen_flags: <defaults>
</compile_context>

<pallas_src>
import functools

import jax
import jax.numpy as jnp
from jax import lax
from jax.experimental import pallas as pl
from jax.experimental.pallas import tpu as pltpu
from jax.experimental.pallas import tpu_sc as plsc

N_EMBD = 64
SEQ_LEN = 2048
LANES = 16
IDX_MINOR = 128


def _tec_body(n_chunks, b_per_w, num_cores,
              table_hbm, idx_hbm, pos_hbm, out_hbm,
              idx_v, rows_v, pos_v, sem):
    wid = lax.axis_index("s") * num_cores + lax.axis_index("c")
    base = wid * b_per_w
    pbase = lax.rem(base, SEQ_LEN)

    pltpu.sync_copy(idx_hbm.at[pl.ds(wid * n_chunks, n_chunks)], idx_v)

    copies = []
    for c in range(n_chunks):
        copies.append(pltpu.async_copy(
            table_hbm.at[idx_v.at[c]],
            rows_v.at[pl.ds(c * IDX_MINOR, IDX_MINOR)],
            sem))
    pltpu.sync_copy(pos_hbm.at[pl.ds(pbase, b_per_w)], pos_v)
    for cp in copies:
        cp.wait()

    def add_row(i, _):
        for j in range(N_EMBD // LANES):
            sl = pl.ds(j * LANES, LANES)
            rows_v[i, sl] = rows_v[i, sl] + pos_v[i, sl]
        return 0

    lax.fori_loop(0, b_per_w, add_row, 0)

    pltpu.sync_copy(rows_v, out_hbm.at[pl.ds(base, b_per_w)])


def kernel(x, emb_table, pos_table):
    B, T = x.shape
    total = B * T
    info = plsc.get_sparse_core_info()
    num_workers = info.num_cores * info.num_subcores
    b_per_w = total // num_workers
    n_chunks = b_per_w // IDX_MINOR

    idx2d = x.reshape(total // IDX_MINOR, IDX_MINOR).astype(jnp.int32)

    mesh = plsc.VectorSubcoreMesh(core_axis_name="c", subcore_axis_name="s")
    body = functools.partial(_tec_body, n_chunks, b_per_w, info.num_cores)
    run = pl.kernel(
        body,
        mesh=mesh,
        compiler_params=pltpu.CompilerParams(use_tc_tiling_on_sc=False),
        out_type=jax.ShapeDtypeStruct((total, N_EMBD), jnp.float32),
        scratch_types=[
            pltpu.VMEM((n_chunks, IDX_MINOR), jnp.int32),
            pltpu.VMEM((b_per_w, N_EMBD), jnp.float32),
            pltpu.VMEM((b_per_w, N_EMBD), jnp.float32),
            pltpu.SemaphoreType.DMA,
        ],
    )
    out = run(emb_table, idx2d, pos_table)
    return out.reshape(B, T, N_EMBD)

# --- scband reference (transcript-rebuilt; emitter-appended) ---
"""Pipeline reference for scband-embeddings-78116865180201 (READ-ONLY COPY).

The authoritative reference and input builder live on the scoring server;
editing this copy changes nothing except your own understanding.
"""

import jax, jax.numpy as jnp
import numpy as np

VOCAB = 1000000
N_EMBD = 64
SEQ_LEN = 2048
B = 4
T = 2048

def setup_inputs(seed: int = 0) -> dict:
    key = jax.random.key(seed)
    k1, k2, k3 = jax.random.split(key, 3)
    x = jax.random.randint(k1, (B, T), 0, VOCAB, dtype=jnp.int64 if jax.config.jax_enable_x64 else jnp.int32)
    emb_table = jax.random.normal(k2, (VOCAB, N_EMBD), dtype=jnp.float32) * 0.02
    pos_table = jax.random.normal(k3, (SEQ_LEN, N_EMBD), dtype=jnp.float32) * 0.02
    return {"x": x, "emb_table": emb_table, "pos_table": pos_table}

def reference(x, emb_table, pos_table):
    # token embedding gather
    tok = jnp.take(emb_table, x, axis=0)          # [B, T, N_EMBD]
    # positional embedding gather
    T_ = x.shape[1]
    positions = jnp.arange(T_, dtype=jnp.int32)
    pos = jnp.take(pos_table, positions, axis=0)  # [T, N_EMBD]
    out = tok + pos[None, :, :]
    # dropout p=0.0 (eval/identity)
    return out

if __name__ == "__main__":
    import jax
    _d = setup_inputs()
    print(jax.jit(kernel)(*tuple(_d.values())))

</pallas_src>

<mosaic_0001>
#map = affine_map<(d0, d1) -> (0, 0)>
module attributes {stable_mosaic.version = 14 : i64} {
  func.func @_tec_body(%arg0: i32, %arg1: i32, %arg2: memref<1000000x64xf32, #tpu.memory_space<hbm>>, %arg3: memref<64x128xi32, #tpu.memory_space<hbm>>, %arg4: memref<2048x64xf32, #tpu.memory_space<hbm>>, %arg5: memref<8192x64xf32, #tpu.memory_space<hbm>>, %arg6: memref<2x128xi32, #tpu.memory_space<vmem>>, %arg7: memref<256x64xf32, #tpu.memory_space<vmem>>, %arg8: memref<256x64xf32, #tpu.memory_space<vmem>>, %arg9: memref<!tpu.dma_semaphore, #tpu.memory_space<semaphore_mem>>) attributes {dimension_semantics = [#tpu.dimension_semantics<core_parallel>, #tpu.dimension_semantics<subcore_parallel>], iteration_bounds = array<i64: 2, 16>, scalar_prefetch = 0 : i64, scratch_operands = 4 : i64, tpu.core_type = #tpu.core_type<sc_vector_subcore>, window_params = [{transform_indices = #map}, {transform_indices = #map}, {transform_indices = #map}, {transform_indices = #map}]} {
    %mul3A = arith.constant 2 : i32
    %mul3A_0 = arith.muli %arg1, %mul3A : i32
    %add3A = arith.addi %mul3A_0, %arg0 : i32
    %mul3A_1 = arith.constant 256 : i32
    %mul3A_2 = arith.muli %add3A, %mul3A_1 : i32
    %rem3A = arith.constant 2048 : i32
    %rem3A_3 = arith.remsi %mul3A_2, %rem3A : i32
    %mul3A_4 = arith.constant 2 : i32
    %mul3A_5 = arith.muli %add3A, %mul3A_4 : i32
    "tpu.region"() ({
      %run_scoped3A = tpu.sem_alloc : memref<!tpu.dma_semaphore, #tpu.memory_space<semaphore_mem>>
      %dma_start3A_50 = arith.constant 0 : i32
      %dma_start3A_51 = tpu.memref_slice %arg3[%mul3A_5, %dma_start3A_50] : memref<64x128xi32, #tpu.memory_space<hbm>> -> memref<2x128xi32, #tpu.memory_space<hbm>>
      %dma_start3A_52 = arith.constant 0 : i32
      %dma_start3A_53 = tpu.memref_slice %arg3[%mul3A_5, %dma_start3A_52] : memref<64x128xi32, #tpu.memory_space<hbm>> -> memref<2x128xi32, #tpu.memory_space<hbm>>
      tpu.enqueue_dma source(%dma_start3A_53 : memref<2x128xi32, #tpu.memory_space<hbm>>) target(%arg6 : memref<2x128xi32, #tpu.memory_space<vmem>>) target_semaphore(%run_scoped3A : memref<!tpu.dma_semaphore, #tpu.memory_space<semaphore_mem>>)
      %dma_wait3A_54 = arith.constant 0 : i32
      %dma_wait3A_55 = tpu.memref_slice %arg3[%mul3A_5, %dma_wait3A_54] : memref<64x128xi32, #tpu.memory_space<hbm>> -> memref<2x128xi32, #tpu.memory_space<hbm>>
      %dma_wait3A_56 = arith.constant 0 : i32
      %dma_wait3A_57 = tpu.memref_slice %arg3[%mul3A_5, %dma_wait3A_56] : memref<64x128xi32, #tpu.memory_space<hbm>> -> memref<2x128xi32, #tpu.memory_space<hbm>>
      tpu.wait_dma2 semaphore(%run_scoped3A : memref<!tpu.dma_semaphore, #tpu.memory_space<semaphore_mem>>) src(%dma_wait3A_57 : memref<2x128xi32, #tpu.memory_space<hbm>>) dst(%arg6 : memref<2x128xi32, #tpu.memory_space<vmem>>)
      tpu.yield
    }) : () -> ()
    %dma_start3A = arith.constant 0 : i32
    %dma_start3A_6 = arith.constant 0 : i32
    %dma_start3A_7 = arith.constant 0 : i32
    %dma_start3A_8 = tpu.memref_slice %arg7[%dma_start3A_6, %dma_start3A_7] : memref<256x64xf32, #tpu.memory_space<vmem>> -> memref<128x64xf32, #tpu.memory_space<vmem>>
    %dma_start3A_9 = arith.constant 0 : i32
    %dma_start3A_10 = tpu.memref_slice %arg6[%dma_start3A, %dma_start3A_9] : memref<2x128xi32, #tpu.memory_space<vmem>> -> memref<1x128xi32, #tpu.memory_space<vmem>>
    %dma_start3A_11 = tpu.memref_squeeze %dma_start3A_10 : memref<1x128xi32, #tpu.memory_space<vmem>> -> memref<128xi32, #tpu.memory_space<vmem>>
    %dma_start3A_12 = arith.constant 0 : i32
    %dma_start3A_13 = arith.constant 0 : i32
    %dma_start3A_14 = tpu.memref_slice %arg2[%dma_start3A_12, %dma_start3A_13] : memref<1000000x64xf32, #tpu.memory_space<hbm>> -> memref<1000000x64xf32, #tpu.memory_space<hbm>>
    tpu.enqueue_indirect_dma source(%dma_start3A_14 : memref<1000000x64xf32, #tpu.memory_space<hbm>>) target(%dma_start3A_8 : memref<128x64xf32, #tpu.memory_space<vmem>>) offsets(%dma_start3A_11 : memref<128xi32, #tpu.memory_space<vmem>>) semaphore(%arg9 : memref<!tpu.dma_semaphore, #tpu.memory_space<semaphore_mem>>)
    %dma_start3A_15 = arith.constant 1 : i32
    %dma_start3A_16 = arith.constant 128 : i32
    %dma_start3A_17 = arith.constant 0 : i32
    %dma_start3A_18 = tpu.memref_slice %arg7[%dma_start3A_16, %dma_start3A_17] : memref<256x64xf32, #tpu.memory_space<vmem>> -> memref<128x64xf32, #tpu.memory_space<vmem>>
    %dma_start3A_19 = arith.constant 0 : i32
    %dma_start3A_20 = tpu.memref_slice %arg6[%dma_start3A_15, %dma_start3A_19] : memref<2x128xi32, #tpu.memory_space<vmem>> -> memref<1x128xi32, #tpu.memory_space<vmem>>
    %dma_start3A_21 = tpu.memref_squeeze %dma_start3A_20 : memref<1x128xi32, #tpu.memory_space<vmem>> -> memref<128xi32, #tpu.memory_space<vmem>>
    %dma_start3A_22 = arith.constant 0 : i32
    %dma_start3A_23 = arith.constant 0 : i32
    %dma_start3A_24 = tpu.memref_slice %arg2[%dma_start3A_22, %dma_start3A_23] : memref<1000000x64xf32, #tpu.memory_space<hbm>> -> memref<1000000x64xf32, #tpu.memory_space<hbm>>
    tpu.enqueue_indirect_dma source(%dma_start3A_24 : memref<1000000x64xf32, #tpu.memory_space<hbm>>) target(%dma_start3A_18 : memref<128x64xf32, #tpu.memory_space<vmem>>) offsets(%dma_start3A_21 : memref<128xi32, #tpu.memory_space<vmem>>) semaphore(%arg9 : memref<!tpu.dma_semaphore, #tpu.memory_space<semaphore_mem>>)
    "tpu.region"() ({
      %run_scoped3A = tpu.sem_alloc : memref<!tpu.dma_semaphore, #tpu.memory_space<semaphore_mem>>
      %dma_start3A_50 = arith.constant 0 : i32
      %dma_start3A_51 = tpu.memref_slice %arg4[%rem3A_3, %dma_start3A_50] : memref<2048x64xf32, #tpu.memory_space<hbm>> -> memref<256x64xf32, #tpu.memory_space<hbm>>
      %dma_start3A_52 = arith.constant 0 : i32
      %dma_start3A_53 = tpu.memref_slice %arg4[%rem3A_3, %dma_start3A_52] : memref<2048x64xf32, #tpu.memory_space<hbm>> -> memref<256x64xf32, #tpu.memory_space<hbm>>
      tpu.enqueue_dma source(%dma_start3A_53 : memref<256x64xf32, #tpu.memory_space<hbm>>) target(%arg8 : memref<256x64xf32, #tpu.memory_space<vmem>>) target_semaphore(%run_scoped3A : memref<!tpu.dma_semaphore, #tpu.memory_space<semaphore_mem>>)
      %dma_wait3A_54 = arith.constant 0 : i32
      %dma_wait3A_55 = tpu.memref_slice %arg4[%rem3A_3, %dma_wait3A_54] : memref<2048x64xf32, #tpu.memory_space<hbm>> -> memref<256x64xf32, #tpu.memory_space<hbm>>
      %dma_wait3A_56 = arith.constant 0 : i32
      %dma_wait3A_57 = tpu.memref_slice %arg4[%rem3A_3, %dma_wait3A_56] : memref<2048x64xf32, #tpu.memory_space<hbm>> -> memref<256x64xf32, #tpu.memory_space<hbm>>
      tpu.wait_dma2 semaphore(%run_scoped3A : memref<!tpu.dma_semaphore, #tpu.memory_space<semaphore_mem>>) src(%dma_wait3A_57 : memref<256x64xf32, #tpu.memory_space<hbm>>) dst(%arg8 : memref<256x64xf32, #tpu.memory_space<vmem>>)
      tpu.yield
    }) : () -> ()
    %dma_wait3A = arith.constant 0 : i32
    %dma_wait3A_25 = arith.constant 0 : i32
    %dma_wait3A_26 = arith.constant 0 : i32
    %dma_wait3A_27 = tpu.memref_slice %arg7[%dma_wait3A_25, %dma_wait3A_26] : memref<256x64xf32, #tpu.memory_space<vmem>> -> memref<128x64xf32, #tpu.memory_space<vmem>>
    %dma_wait3A_28 = arith.constant 0 : i32
    %dma_wait3A_29 = tpu.memref_slice %arg6[%dma_wait3A, %dma_wait3A_28] : memref<2x128xi32, #tpu.memory_space<vmem>> -> memref<1x128xi32, #tpu.memory_space<vmem>>
    %dma_wait3A_30 = tpu.memref_squeeze %dma_wait3A_29 : memref<1x128xi32, #tpu.memory_space<vmem>> -> memref<128xi32, #tpu.memory_space<vmem>>
    %dma_wait3A_31 = arith.constant 0 : i32
    %dma_wait3A_32 = arith.constant 0 : i32
    %dma_wait3A_33 = tpu.memref_slice %arg2[%dma_wait3A_31, %dma_wait3A_32] : memref<1000000x64xf32, #tpu.memory_space<hbm>> -> memref<1000000x64xf32, #tpu.memory_space<hbm>>
    tpu.wait_indirect_dma semaphore(%arg9 : memref<!tpu.dma_semaphore, #tpu.memory_space<semaphore_mem>>) src(%dma_wait3A_33 : memref<1000000x64xf32, #tpu.memory_space<hbm>>) dst(%dma_wait3A_27 : memref<128x64xf32, #tpu.memory_space<vmem>>)
    %dma_wait3A_34 = arith.constant 1 : i32
    %dma_wait3A_35 = arith.constant 128 : i32
    %dma_wait3A_36 = arith.constant 0 : i32
    %dma_wait3A_37 = tpu.memref_slice %arg7[%dma_wait3A_35, %dma_wait3A_36] : memref<256x64xf32, #tpu.memory_space<vmem>> -> memref<128x64xf32, #tpu.memory_space<vmem>>
    %dma_wait3A_38 = arith.constant 0 : i32
    %dma_wait3A_39 = tpu.memref_slice %arg6[%dma_wait3A_34, %dma_wait3A_38] : memref<2x128xi32, #tpu.memory_space<vmem>> -> memref<1x128xi32, #tpu.memory_space<vmem>>
    %dma_wait3A_40 = tpu.memref_squeeze %dma_wait3A_39 : memref<1x128xi32, #tpu.memory_space<vmem>> -> memref<128xi32, #tpu.memory_space<vmem>>
    %dma_wait3A_41 = arith.constant 0 : i32
    %dma_wait3A_42 = arith.constant 0 : i32
    %dma_wait3A_43 = tpu.memref_slice %arg2[%dma_wait3A_41, %dma_wait3A_42] : memref<1000000x64xf32, #tpu.memory_space<hbm>> -> memref<1000000x64xf32, #tpu.memory_space<hbm>>
    tpu.wait_indirect_dma semaphore(%arg9 : memref<!tpu.dma_semaphore, #tpu.memory_space<semaphore_mem>>) src(%dma_wait3A_43 : memref<1000000x64xf32, #tpu.memory_space<hbm>>) dst(%dma_wait3A_37 : memref<128x64xf32, #tpu.memory_space<vmem>>)
    %scan3A = arith.constant 0 : i32
    %scan3A_44 = arith.constant 0 : i32
    %scan3A_45 = arith.constant 256 : i32
    %scan3A_46 = arith.addi %scan3A_44, %scan3A_45 : i32
    %scan3A_47 = arith.constant 1 : i32
    %scan3A_48 = scf.for %scan3A_50 = %scan3A_44 to %scan3A_46 step %scan3A_47 iter_args(%scan3A_51 = %scan3A) -> (i32)  : i32 {
      %get3A = arith.index_cast %scan3A_50 : i32 to index
      %get3A_52 = arith.constant 0 : index
      %get3A_53 = tpu.vector_load %arg7[%get3A, %get3A_52] {strides = array<i32>} : memref<256x64xf32, #tpu.memory_space<vmem>>, vector<1x16xf32>,
      %get3A_54 = vector.shape_cast %get3A_53 : vector<1x16xf32> to vector<16xf32>
      %get3A_55 = arith.index_cast %scan3A_50 : i32 to index
      %get3A_56 = arith.constant 0 : index
      %get3A_57 = tpu.vector_load %arg8[%get3A_55, %get3A_56] {strides = array<i32>} : memref<256x64xf32, #tpu.memory_space<vmem>>, vector<1x16xf32>,
      %get3A_58 = vector.shape_cast %get3A_57 : vector<1x16xf32> to vector<16xf32>
      %add3A_59 = arith.addf %get3A_54, %get3A_58 : vector<16xf32>
      %swap3A = arith.index_cast %scan3A_50 : i32 to index
      %swap3A_60 = arith.constant 0 : index
      %swap3A_61 = tpu.vector_load %arg7[%swap3A, %swap3A_60] {strides = array<i32>} : memref<256x64xf32, #tpu.memory_space<vmem>>, vector<1x16xf32>,
      %swap3A_62 = vector.shape_cast %swap3A_61 : vector<1x16xf32> to vector<16xf32>
      %swap3A_63 = vector.shape_cast %add3A_59 : vector<16xf32> to vector<1x16xf32>
      tpu.vector_store %arg7[%swap3A, %swap3A_60], %swap3A_63 {strides = array<i32>} : memref<256x64xf32, #tpu.memory_space<vmem>>, vector<1x16xf32>,
      %get3A_64 = arith.index_cast %scan3A_50 : i32 to index
      %get3A_65 = arith.constant 16 : index
      %get3A_66 = tpu.vector_load %arg7[%get3A_64, %get3A_65] {strides = array<i32>} : memref<256x64xf32, #tpu.memory_space<vmem>>, vector<1x16xf32>,
      %get3A_67 = vector.shape_cast %get3A_66 : vector<1x16xf32> to vector<16xf32>
      %get3A_68 = arith.index_cast %scan3A_50 : i32 to index
      %get3A_69 = arith.constant 16 : index
      %get3A_70 = tpu.vector_load %arg8[%get3A_68, %get3A_69] {strides = array<i32>} : memref<256x64xf32, #tpu.memory_space<vmem>>, vector<1x16xf32>,
      %get3A_71 = vector.shape_cast %get3A_70 : vector<1x16xf32> to vector<16xf32>
      %add3A_72 = arith.addf %get3A_67, %get3A_71 : vector<16xf32>
      %swap3A_73 = arith.index_cast %scan3A_50 : i32 to index
      %swap3A_74 = arith.constant 16 : index
      %swap3A_75 = tpu.vector_load %arg7[%swap3A_73, %swap3A_74] {strides = array<i32>} : memref<256x64xf32, #tpu.memory_space<vmem>>, vector<1x16xf32>,
      %swap3A_76 = vector.shape_cast %swap3A_75 : vector<1x16xf32> to vector<16xf32>
      %swap3A_77 = vector.shape_cast %add3A_72 : vector<16xf32> to vector<1x16xf32>
      tpu.vector_store %arg7[%swap3A_73, %swap3A_74], %swap3A_77 {strides = array<i32>} : memref<256x64xf32, #tpu.memory_space<vmem>>, vector<1x16xf32>,
      %get3A_78 = arith.index_cast %scan3A_50 : i32 to index
      %get3A_79 = arith.constant 32 : index
      %get3A_80 = tpu.vector_load %arg7[%get3A_78, %get3A_79] {strides = array<i32>} : memref<256x64xf32, #tpu.memory_space<vmem>>, vector<1x16xf32>,
      %get3A_81 = vector.shape_cast %get3A_80 : vector<1x16xf32> to vector<16xf32>
      %get3A_82 = arith.index_cast %scan3A_50 : i32 to index
      %get3A_83 = arith.constant 32 : index
      %get3A_84 = tpu.vector_load %arg8[%get3A_82, %get3A_83] {strides = array<i32>} : memref<256x64xf32, #tpu.memory_space<vmem>>, vector<1x16xf32>,
      %get3A_85 = vector.shape_cast %get3A_84 : vector<1x16xf32> to vector<16xf32>
      %add3A_86 = arith.addf %get3A_81, %get3A_85 : vector<16xf32>
      %swap3A_87 = arith.index_cast %scan3A_50 : i32 to index
      %swap3A_88 = arith.constant 32 : index
      %swap3A_89 = tpu.vector_load %arg7[%swap3A_87, %swap3A_88] {strides = array<i32>} : memref<256x64xf32, #tpu.memory_space<vmem>>, vector<1x16xf32>,
      %swap3A_90 = vector.shape_cast %swap3A_89 : vector<1x16xf32> to vector<16xf32>
      %swap3A_91 = vector.shape_cast %add3A_86 : vector<16xf32> to vector<1x16xf32>
      tpu.vector_store %arg7[%swap3A_87, %swap3A_88], %swap3A_91 {strides = array<i32>} : memref<256x64xf32, #tpu.memory_space<vmem>>, vector<1x16xf32>,
      %get3A_92 = arith.index_cast %scan3A_50 : i32 to index
      %get3A_93 = arith.constant 48 : index
      %get3A_94 = tpu.vector_load %arg7[%get3A_92, %get3A_93] {strides = array<i32>} : memref<256x64xf32, #tpu.memory_space<vmem>>, vector<1x16xf32>,
      %get3A_95 = vector.shape_cast %get3A_94 : vector<1x16xf32> to vector<16xf32>
      %get3A_96 = arith.index_cast %scan3A_50 : i32 to index
      %get3A_97 = arith.constant 48 : index
      %get3A_98 = tpu.vector_load %arg8[%get3A_96, %get3A_97] {strides = array<i32>} : memref<256x64xf32, #tpu.memory_space<vmem>>, vector<1x16xf32>,
      %get3A_99 = vector.shape_cast %get3A_98 : vector<1x16xf32> to vector<16xf32>
      %add3A_100 = arith.addf %get3A_95, %get3A_99 : vector<16xf32>
      %swap3A_101 = arith.index_cast %scan3A_50 : i32 to index
      %swap3A_102 = arith.constant 48 : index
      %swap3A_103 = tpu.vector_load %arg7[%swap3A_101, %swap3A_102] {strides = array<i32>} : memref<256x64xf32, #tpu.memory_space<vmem>>, vector<1x16xf32>,
      %swap3A_104 = vector.shape_cast %swap3A_103 : vector<1x16xf32> to vector<16xf32>
      %swap3A_105 = vector.shape_cast %add3A_100 : vector<16xf32> to vector<1x16xf32>
      tpu.vector_store %arg7[%swap3A_101, %swap3A_102], %swap3A_105 {strides = array<i32>} : memref<256x64xf32, #tpu.memory_space<vmem>>, vector<1x16xf32>,
      %scan3A_106 = arith.constant 0 : i32
      scf.yield %scan3A_106 : i32
    }
    %scan3A_49 = arith.constant 256 : i32
    "tpu.region"() ({
      %run_scoped3A = tpu.sem_alloc : memref<!tpu.dma_semaphore, #tpu.memory_space<semaphore_mem>>
      %dma_start3A_50 = arith.constant 0 : i32
      %dma_start3A_51 = tpu.memref_slice %arg5[%mul3A_2, %dma_start3A_50] : memref<8192x64xf32, #tpu.memory_space<hbm>> -> memref<256x64xf32, #tpu.memory_space<hbm>>
      %dma_start3A_52 = arith.constant 0 : i32
      %dma_start3A_53 = tpu.memref_slice %arg5[%mul3A_2, %dma_start3A_52] : memref<8192x64xf32, #tpu.memory_space<hbm>> -> memref<256x64xf32, #tpu.memory_space<hbm>>
      tpu.enqueue_dma source(%arg7 : memref<256x64xf32, #tpu.memory_space<vmem>>) target(%dma_start3A_53 : memref<256x64xf32, #tpu.memory_space<hbm>>) target_semaphore(%run_scoped3A : memref<!tpu.dma_semaphore, #tpu.memory_space<semaphore_mem>>)
      %dma_wait3A_54 = arith.constant 0 : i32
      %dma_wait3A_55 = tpu.memref_slice %arg5[%mul3A_2, %dma_wait3A_54] : memref<8192x64xf32, #tpu.memory_space<hbm>> -> memref<256x64xf32, #tpu.memory_space<hbm>>
      %dma_wait3A_56 = arith.constant 0 : i32
      %dma_wait3A_57 = tpu.memref_slice %arg5[%mul3A_2, %dma_wait3A_56] : memref<8192x64xf32, #tpu.memory_space<hbm>> -> memref<256x64xf32, #tpu.memory_space<hbm>>
      tpu.wait_dma2 semaphore(%run_scoped3A : memref<!tpu.dma_semaphore, #tpu.memory_space<semaphore_mem>>) src(%arg7 : memref<256x64xf32, #tpu.memory_space<vmem>>) dst(%dma_wait3A_57 : memref<256x64xf32, #tpu.memory_space<hbm>>)
      tpu.yield
    }) : () -> ()
    return
  }
}

</mosaic_0001>

<sc_bundles>
// kernel: kernel.3.cloned.1.call-start
scs
__scs_entry_jumppad:
0x0: {  	(pc) =	sbr.rel $0x88, $3  }
0x1: {  	(tag) =	ssettag $0x0;
	lr =	simm.s32 $0x1  }
0x2: {  	[smem:$0x3F9E] =	sst lr;
	_ =	strace $0xD0000000  }
0x3: {  	_ = 	snop  }
0x4: {  	_ = 	snop  }
0x5: {  	_ = 	snop  }
0x6: {  	_ = 	snop  }
0x7: {  	_ = 	snop  }
__scs_overlays_trampoline_lowered:
0x8: {  	[smem:$0x3FAD] =	sst s0  }
0x9: {  	[smem:$0x3FAE] =	sst s1  }
0xa: {  	[smem:$0x3FAF] =	sst s2  }
0xb: {  	[smem:$0x3FB0] =	sst s3  }
0xc: {  	[smem:$0x3FB1] =	sst s4  }
0xd: {  	[smem:$0x3FB2] =	sst s5  }
0xe: {  	[smem:$0x3FB3] =	sst s6  }
0xf: {  	[smem:$0x3FB4] =	sst s7  }
0x10: {  	[smem:$0x3FB5] =	sst s8  }
0x11: {  	[smem:$0x3FB6] =	sst s9;
	s0 =	simm.s32 @!p0 $0x0  }
0x12: {  	s1 =	sld [smem:$0x3F9C];
	s0 =	simm.s32 @p0 $0x1  }
0x13: {  	[smem:$0x3FB7] =	sst s0;
	s0 =	simm.s32 @!p1 $0x0  }
0x14: {  	s2 =	sld [smem:$0x3F9B];
	s0 =	simm.s32 @p1 $0x1  }
0x15: {  	[smem:$0x3FB8] =	sst s0;
	s0 =	simm.s32 @!p2 $0x0  }
0x16: {  	s3 =	sld [smem:$0x3FDB];
	s0 =	simm.s32 @p2 $0x1  }
0x17: {  	s4 =	simm.s32 $0x1BF5;
	[smem:$0x3FBA] =	sst s0  }
0x18: {  	s0 =	sld [smem:$0x3F9D];
	_ =	swait.ge [sflag:s4], $0x0  }
0x19: {  	s7 =	sld [smem:$0x3F9E]  }
0x1a: {  	s8 =	sadd.s32 $0xFFFFE003, lr  }
0x1b: {  	s9 =	sadd.s32 $0xFFFFFEF7, lr;
	s5 =	simm.s32 $0xFFFFFFFF;
	p2 =	slt.u32 s8, $0xFFFFF086  }
0x1c: {  	p1 =	slt.u32 s9, $0xF7A;
	s5 =	simm.s32 @!p2 $0x0  }
0x1d: {  	s5 =	simm.s32 @p1 $0x1;
	p0 =	seq.s32 s7, s2  }
0x1e: {  	s7 =	smul.u32 @!p0 $0xF7A, s2;
	p2 =	seq.s32 @!p0 s5, $0x0  }
0x1f: {  	s9 =	smul.u32 $0xF7A, s1;
	s8 =	simm.s32 @!p0 $0x1BF5;
	p2 =	por !p2, p0  }
0x20: {  	[sflag:s8] =	ssyncset.s32 @!p0 $0xFFFFF086;
	s6 =	sadd.s32 @!p0 s3, s7;
	s7 =	simm.s32 @!p0 $0x108  }
0x21: {  	s3 =	sadd.s32 s3, s9;
	s6 =	sadd.s32 @!p0 $0x88, s6;
	s7 =	simm.s32 @p2 $0x1082  }
0x22: {  	[simem:s7], [sflag:s8] =	dma.local @!p0 [hbm:s6], $0xF7A  }
0x23: {  	s9 =	sor.u32 $0xD0000000, s2;
	s6 =	simm.s32 $0x108;
	_ =	swait.ge @!p0 [sflag:s8], $0x0  }
0x24: {  	s3 =	sadd.s32 $0x88, s3;
	s6 =	simm.s32 @!p1 $0x1082;
	[sflag:s4] =	ssyncset.s32 $0xFFFFF086  }
0x25: {  	[simem:s6], [sflag:s4] =	dma.local [hbm:s3], $0xF7A  }
0x26: {  	[smem:$0x3F9E] =	sst s1;
	(tag) =	ssettag s2;
	_ =	strace s9  }
0x27: {  	s1 =	sld [smem:$0x3FAE]  }
0x28: {  	s2 =	sld [smem:$0x3FAF]  }
0x29: {  	s4 =	sld [smem:$0x3FB1]  }
0x2a: {  	p0 =	seq.s32 s5, $0x0;
	s5 =	sld [smem:$0x3FB2]  }
0x2b: {  	s6 =	sld [smem:$0x3FB3]  }
0x2c: {  	s7 =	sld [smem:$0x3FB4]  }
0x2d: {  	s3 =	simm.s32 $0x108;
	s8 =	sld [smem:$0x3FB5]  }
0x2e: {  	s3 =	simm.s32 @!p0 $0x1082;
	s9 =	sld [smem:$0x3FB6]  }
0x2f: {  	lr =	sadd.s32 s0, s3;
	s0 =	sld [smem:$0x3FAD]  }
0x30: {  	s3 =	sld [smem:$0x3FB0]  }
0x31: {  	[smem:$0x3FB9] =	sst s10  }
0x32: {  	s10 =	sld [smem:$0x3FB7];
	_ =	sdelay $0x3  }
0x33: {  	p0 =	seq.s32 s10, $0x1;
	s10 =	sld [smem:$0x3FB9];
	_ =	sdelay $0x3  }
0x34: {  	[smem:$0x3FB9] =	sst s10  }
0x35: {  	s10 =	sld [smem:$0x3FB8];
	_ =	sdelay $0x3  }
0x36: {  	p1 =	seq.s32 s10, $0x1;
	s10 =	sld [smem:$0x3FB9];
	_ =	sdelay $0x3  }
0x37: {  	[smem:$0x3FB9] =	sst s10  }
0x38: {  	s10 =	sld [smem:$0x3FBA]  }
0x39: {  	_ = 	snop;
	(pc) =	sbr.ind lr, $3  }
0x3a: {  	_ = 	snop  }
0x3b: {  	_ = 	snop  }
0x3c: {  	p2 =	seq.s32 s10, $0x1;
	s10 =	sld [smem:$0x3FB9]  }
0x3d: {  	_ =	shalt  }
0x3e: {  	_ =	shalt  }
0x3f: {  	_ =	shalt  }
0x40: {  	_ =	shalt  }
0x41: {  	_ =	shalt  }
0x42: {  	_ =	shalt  }
0x43: {  	_ =	shalt  }
0x44: {  	_ =	shalt  }
0x45: {  	_ =	shalt  }
0x46: {  	_ =	shalt  }
0x47: {  	_ =	shalt  }
0x48: {  	_ =	shalt  }
0x49: {  	_ =	shalt  }
0x4a: {  	_ =	shalt  }
0x4b: {  	_ =	shalt  }
0x4c: {  	_ =	shalt  }
0x4d: {  	_ =	shalt  }
0x4e: {  	_ =	shalt  }
0x4f: {  	_ =	shalt  }
0x50: {  	_ =	shalt  }
0x51: {  	_ =	shalt  }
0x52: {  	_ =	shalt  }
0x53: {  	_ =	shalt  }
0x54: {  	_ =	shalt  }
0x55: {  	_ =	shalt  }
0x56: {  	_ =	shalt  }
0x57: {  	_ =	shalt  }
0x58: {  	_ =	shalt  }
0x59: {  	_ =	shalt  }
0x5a: {  	_ =	shalt  }
0x5b: {  	_ =	shalt  }
0x5c: {  	_ =	shalt  }
0x5d: {  	_ =	shalt  }
0x5e: {  	_ =	shalt  }
0x5f: {  	_ =	shalt  }
0x60: {  	_ =	shalt  }
0x61: {  	_ =	shalt  }
0x62: {  	_ =	shalt  }
0x63: {  	_ =	shalt  }
0x64: {  	_ =	shalt  }
0x65: {  	_ =	shalt  }
0x66: {  	_ =	shalt  }
0x67: {  	_ =	shalt  }
0x68: {  	_ =	shalt  }
0x69: {  	_ =	shalt  }
0x6a: {  	_ =	shalt  }
0x6b: {  	_ =	shalt  }
0x6c: {  	_ =	shalt  }
0x6d: {  	_ =	shalt  }
0x6e: {  	_ =	shalt  }
0x6f: {  	_ =	shalt  }
0x70: {  	_ =	shalt  }
0x71: {  	_ =	shalt  }
0x72: {  	_ =	shalt  }
0x73: {  	_ =	shalt  }
0x74: {  	_ =	shalt  }
0x75: {  	_ =	shalt  }
0x76: {  	_ =	shalt  }
0x77: {  	_ =	shalt  }
0x78: {  	_ =	shalt  }
0x79: {  	_ =	shalt  }
0x7a: {  	_ =	shalt  }
0x7b: {  	_ =	shalt  }
0x7c: {  	_ =	shalt  }
0x7d: {  	_ =	shalt  }
0x7e: {  	_ =	shalt  }
0x7f: {  	_ =	shalt  }
0x80: {  	_ =	shalt  }
0x81: {  	_ =	shalt  }
0x82: {  	_ =	shalt  }
0x83: {  	_ =	shalt  }
0x84: {  	_ =	shalt  }
0x85: {  	_ =	shalt  }
0x86: {  	_ =	shalt  }
0x87: {  	_ =	shalt  }
.Lfunc_end0:
.L_simem_size_0:
called_computation_lowered:
.L_overlay_start_0:
0x88: {  	s2 =	sld [smem:$0x3FD9]  }
0x89: {  	s3 =	sld [smem:$0x3FFE];
	_ =	sdelay $0x1  }
0x8a: {  	s1 =	srdreg.scid  }
0x8b: {  	s0 =	sand.u32 $0x1, s1  }
0x8c: {  	s17 =	sshll.u32 s0, $0xA;
	s2 =	sadd.s32 s3, s2  }
0x8d: {  	s2 =	sadd.s32 s2, s17  }
0x8e: {  	[smem:$0x3FC5] =	sst s2  }
0x8f: {  	_ = 	snop  }
0x90: {  	s2 =	sld [smem:$0x3FD0];
	(tm) =	ssettm $0x1  }
0x91: {  	s18 =	sld [smem:$0x3FFB];
	_ =	sdelay $0x3  }
0x92: {  	_ =	strace s18  }
0x93: {  	s3 =	sld [smem:$0x3FFC];
	_ =	sdelay $0x3  }
0x94: {  	_ =	strace s3  }
0x95: {  	s3 =	sld [smem:$0x3FFD];
	_ =	sdelay $0x3  }
0x96: {  	_ =	strace s3  }
0x97: {  	_ =	strace $0x8FFFFFFF  }
0x98: {  	s19 =	sld [smem:$0x3FDB];
	_ =	sdelay $0x1  }
0x99: {  	s4 =	simm.s32 $_scs_section_size  }
0x9a: {  	s5 =	simm.s32 $_size__tile_overlayer_lowered;
	s6 =	simm.s32 $_tile_overlayer_lowered  }
0x9b: {  	s22 =	simm.s32 $0x1BFF;
	s21 =	sshll.u32 s6, $0x1;
	s3 =	sadd.s32 s4, s19  }
0x9c: {  	s7 =	simm.s32 $0x0;
	s20 =	sshll.u32 s5, $0x1;
	s5 =	sadd.s32 s21, s3  }
0x9d: {  	[timem:s7], [sflag:s22] =	dma.local [hbm:s5], s20  }
0x9e: {  	_ =	swait.ge [sflag:s22], s20  }
0x9f: {  	s4 =	ssub.s32 $0x0, s20;
	[sflag:s22] =	ssyncset.done $0x0  }
0xa0: {  	[sflag:s22] =	ssyncadd.s32 s4;
	_ =	sdelay $0x1  }
0xa1: {  	s23 =	simm.s32 $0x1B8B  }
0xa2: {  	_ =	swait.ge [sflag:s23], $0x1  }
0xa3: {  	[sflag:s23] =	ssyncset.done $0x0  }
0xa4: {  	s25 =	simm.s32 $0x1B8E;
	s24 =	sld [smem:$0x3FFE];
	[sflag:s23] =	ssyncadd.s32 $0xFFFFFFFF  }
0xa5: {  	s26 =	simm.s32 $execute0_lowered;
	[smem:$0x3FD2] =	sst s25  }
0xa6: {  	s5 =	sshll.u32 s26, $0x1;
	_ =	strace $0x80000046;
	[dreg:$0x1] =	wrdreg $0xFFFFFFFF  }
0xa7: {  	s28 =	simm.s32 $_size_execute0_lowered;
	s3 =	sadd.s32 s3, s5;
	[dreg:$0x0] =	wrdreg $0x0  }
0xa8: {  	s5 =	sshll.u32 s28, $0x1;
	[dreg:$0x2] =	wrdreg s3  }
0xa9: {  	[dreg:$0x3] =	wrdreg s5  }
0xaa: {  	[dreg:$0x4] =	wrdreg $0xC0  }
0xab: {  	_ =	task [dreg:s7], $0x5FFFF  }
0xac: {  	[dreg:$0x1] =	wrdreg $0xFFFFFFFF  }
0xad: {  	[dreg:$0x0] =	wrdreg $0x60  }
0xae: {  	[dreg:$0x2] =	wrdreg s24  }
0xaf: {  	[dreg:$0x3] =	wrdreg s2  }
0xb0: {  	[dreg:$0x4] =	wrdreg $0x9  }
0xb1: {  	_ =	task.clear_ibuf [dreg:s7], $0x5FFFF;
	_ =	strace $0x90000046  }
0xb2: {  	s29 =	simm.s32 $0x9;
	_ =	strace $0x80000048  }
0xb3: {  	_ =	swait.ge [sflag:s29], $0x1  }
0xb4: {  	[sflag:s29] =	ssyncadd.s32 $0xFFFFFFFF  }
0xb5: {  	_ =	strace $0x90000048  }
0xb6: {  	_ =	sfence  }
0xb7: {  	s30 =	sld [smem:$0x0];
	_ =	sdelay $0x2  }
0xb8: {  	s31 =	sshll.u32 s1, $0xD;
	s1 =	sshrl.u32 s1, $0x2  }
0xb9: {  	s3 =	sand.u32 $0x4000, s31;
	s1 =	sadd.s32 s1, s30  }
0xba: {  	s0 =	sor.u32 s3, s0;
	s1 =	sshll.u32 s1, $0x11  }
0xbb: {  	s0 =	sor.u32 s1, s0  }
0xbc: {  	s0 =	sadd.s32 $0x8F2B, s0  }
0xbd: {  	[sflag:s0] =	ssyncadd.remote.s32 $0x1  }
0xbe: {  	_ =	sfence.sel $0xFFFF  }
0xbf: {  	[dreg:$0x0] =	wrdreg $0xFFFFFFFF;
	(pc) =	sbr.abs _section_cstart, $3  }
0xc0: {  	[dreg:$0x1] =	wrdreg $0xFFFFFFFF  }
0xc1: {  	_ =	task.clear_ibuf [dreg:s7], $0x2FFFF;
	_ =	strace $0x9FFFFFFF  }
0xc2: {  	(tm) =	ssettm $0x7FFFFFFF  }
0xc3: {  	_ =	shalt  }
tec
execute0_lowered:
.L_overlay_start_1:
0x0: {  	(tag) =	ssettag $0x1  }
0x1: {  	s4 =	rddreg [dreg:$0x0]  }
0x2: {  	s6 =	rddreg [dreg:$0x1]  }
0x3: {  	s0 =	rddreg [dreg:$0x2];
	s2 =	simm.s32 $0x0  }
0x4: {  	s3 =	srdreg.scid;
	s1 =	stileid.u32;
	s11 =	simm.s32 $0x2100  }
0x5: {  	s12 =	simm.s32 $0x4100;
	s13 =	simm.s32 $0x1;
	s14 =	simm.s32 $0x0  }
0x6: {  	[smem:$0x7FF] =	sst s2;
	s5 =	sand.u32 $0x1, s3;
	s30 =	sshll.u32 s1, $0x1  }
0x7: {  	s3 =	sadd.s32 $0xF42C00, s4;
	_ =	strace $0x80000047;
	s7 =	sor.u32 s5, s30  }
0x8: {  	s5 =	ssub.s32 $0x2, s5;
	s8 =	sshll.u32 s7, $0xB;
	s7 =	sshll.u32 s7, $0x5  }
0x9: {  	s31 =	sshrl.u32 s5, $0x1;
	s9 =	sand.u32 $0x3800, s8;
	s7 =	sadd.s32 s7, s4  }
0xa: {  	s10 =	ssub.s32 s5, s31;
	s6 =	sadd.s32 s6, s8;
	s8 =	simm.s32 $0x2  }
0xb: {  	s9 =	sadd.s32 s9, s4;
	s4 =	sadd.s32 $0x4800, s7;
	s7 =	smax.u32 s10, $0x1  }
0xc: {  	s10 =	simm.s32 $0x100;
	s5 =	sadd.s32 $0x800, s9;
	s9 =	simm.s32 $0x80  }
.LBB2_1:
0xd: {  	[tilespmem:s2], [sflag:$0x2] =	stream.linear.gather [hbm4b:s4+s2], $0x100, $0x38;
	[tilespmem:$0x8100] =	vst v63  }
0xe: {  	_ =	swait.ge [sflag:s8], $0x100  }
0xf: {  	[sflag:s8] =	ssyncset.done $0x0  }
0x10: {  	[sflag:s8] =	ssyncadd.s32 $0xFFFFFF00  }
0x11: {  	[tilespmem:s10], [sflag:$0x1] =	stream.indirect.gather [hbm4b:s3+s9], $0x40, s2, s9, $0xb8;
	[tilespmem:$0x8100] =	vst v63  }
0x12: {  	_ = 	snop  }
0x13: {  	[tilespmem:s11], [sflag:$0x1] =	stream.indirect.gather [hbm4b:s3+s9], $0x40, s9, s9, $0xb8;
	[tilespmem:$0x8100] =	vst v63  }
0x14: {  	_ = 	snop  }
0x15: {  	[tilespmem:s12], [sflag:$0x2] =	stream.linear.gather [hbm4b:s5+s2], $0x4000, $0x38;
	[tilespmem:$0x8100] =	vst v63  }
0x16: {  	_ =	swait.ge [sflag:s8], $0x4000  }
0x17: {  	[sflag:s8] =	ssyncset.done $0x0  }
0x18: {  	[sflag:s8] =	ssyncadd.s32 $0xFFFFC000  }
0x19: {  	_ =	swait.ge [sflag:s13], $0x2000  }
0x1a: {  	[sflag:s13] =	ssyncset.done $0x0  }
0x1b: {  	[sflag:s13] =	ssyncadd.s32 $0xFFFFE000  }
0x1c: {  	_ =	swait.ge [sflag:s13], $0x2000  }
0x1d: {  	[sflag:s13] =	ssyncset.done $0x0  }
0x1e: {  	s15 =	simm.s32 $0x0;
	[sflag:s13] =	ssyncadd.s32 $0xFFFFE000  }
0x1f: {  	v5 =	vld [tilespmem:s15+$0x4100]  }
0x20: {  	v6 =	vld [tilespmem:s15+$0x4110]  }
0x21: {  	v1 =	vld [tilespmem:s15+$0x4120]  }
0x22: {  	v0 =	vld [tilespmem:s15+$0x4130]  }
0x23: {  	v2 =	vld [tilespmem:s15+$0x100]  }
0x24: {  	v4 =	vld [tilespmem:s15+$0x110]  }
0x25: {  	s16 =	simm.s32 $0x100;
	v3 =	vld [tilespmem:s15+$0x120]  }
.LBB2_2:
0x26: {  	s17 =	sshra.s32 s16, $0x2;
	p0 =	sne.s32 s16, $0xFF00;
	v7 =	vld [tilespmem:s15+$0x130];
	v8 =	vmov v1  }
0x27: {  	v9 =	vld [tilespmem:s17+$0x4100];
	v10 =	vmov v0  }
0x28: {  	v11 =	vld [tilespmem:s17+$0x4110];
	v2 =	vadd.f32 v5, v2  }
.Ltmp0:
0x29: {  	v1 =	vld [tilespmem:s17+$0x4120];
	v4 =	vadd.f32 v6, v4;
	(pc) =	sbr.rel @p0 .LBB2_2-.Ltmp0, $4  }
0x2a: {  	v0 =	vld [tilespmem:s17+$0x4130];
	[tilespmem:s15+$0x100] =	vst v2;
	v3 =	vadd.f32 v8, v3  }
0x2b: {  	v2 =	vld [tilespmem:s17+$0x100];
	[tilespmem:s15+$0x110] =	vst v4;
	v7 =	vadd.f32 v10, v7  }
0x2c: {  	v4 =	vld [tilespmem:s17+$0x110];
	[tilespmem:s15+$0x120] =	vst v3;
	v5 =	vmov v9  }
0x2d: {  	s16 =	sadd.s32 $0x100, s16;
	v3 =	vld [tilespmem:s17+$0x120];
	[tilespmem:s15+$0x130] =	vst v7;
	v6 =	vmov v11;
	s15 =	smov.u32 s17  }
0x2e: {  	v7 =	vld [tilespmem:s15+$0x130];
	_ =	sdelay $0x1  }
0x2f: {  	v2 =	vadd.f32 v5, v2  }
0x30: {  	v4 =	vadd.f32 v6, v4  }
0x31: {  	[tilespmem:s15+$0x100] =	vst v2;
	v1 =	vadd.f32 v1, v3  }
0x32: {  	s14 =	sadd.s32 $0x1, s14;
	[tilespmem:s15+$0x110] =	vst v4;
	v0 =	vadd.f32 v0, v7  }
0x33: {  	p0 =	sne.s32 s14, s7;
	[tilespmem:s15+$0x120] =	vst v1  }
.Ltmp1:
0x34: {  	[tilespmem:s15+$0x130] =	vst v0;
	(pc) =	sbr.rel @p0 .LBB2_1-.Ltmp1, $4  }
0x35: {  	[hbm4b:s6+s2] =	stream.linear.scatter [tilespmem:s10], [sflag:$0x2], $0x4000, $0x38;
	[tilespmem:$0x8100] =	vst v63  }
0x36: {  	_ =	swait.ge [sflag:s8], $0x4000  }
0x37: {  	[sflag:s8] =	ssyncset.done $0x0  }
0x38: {  	[sflag:s8] =	ssyncadd.s32 $0xFFFFC000  }
0x39: {  	_ =	sfence.sel $0x180000  }
0x3a: {  	[bflag:$0x0] =	sbarrier.arrive $0xFFFF  }
0x3b: {  	p0 =	sne.s32 s1, $0x0;
	_ =	strace $0x90000047  }
0x3c: {  	s0 =	sadd.s32 @!p0 $0x100000, s0;
	[bflag:$0x2] =	sbarrier.arrive $0xFFFF  }
0x3d: {  	[sflag:s0] =	ssyncadd.tile.s32 @!p0 $0x1;
	_ =	shalt  }
.Lfunc_end2:
_tile_overlayer_lowered:
.L_overlay_start_2:
0x3e: {  	(tag) =	ssettag $0x2  }
0x3f: {  	s0 =	rddreg [dreg:$0x0];
	s2 =	stileid.u32  }
0x40: {  	s1 =	rddreg [dreg:$0x1];
	p0 =	sne.s32 s2, $0x0  }
0x41: {  	s3 =	rddreg [dreg:$0x2];
	[bflag:$0x3] =	sbarrier.arrive $0xFFFF;
	s2 =	simm.s32 @!p0 $0x1C02  }
0x42: {  	[timem:s3], [sflag:s2] =	dma.local @!p0 [hbm:s0], s1  }
0x43: {  	s0 =	simm.s32 @!p0 $0x2  }
0x44: {  	_ =	swait.ge @!p0 [sflag:s0], s1  }
0x45: {  	s1 =	ssub.s32 @!p0 $0x0, s1;
	[sflag:s0] =	ssyncset.done @!p0 $0x0  }
0x46: {  	[sflag:s0] =	ssyncadd.s32 @!p0 s1  }
0x47: {  	[bflag:$0x3] =	sbarrier.arrive $0xFFFF  }
0x48: {  	_ =	shalt  }

</sc_bundles>
